<compile_context>
chip_gen: v7x
topology: tpu7x:2x2x1
jax: 0.10.2.dev20260603
libtpu: 0.0.44.dev20260713+nightly
codegen_flags: <defaults>
</compile_context>

<pallas_src>
import functools

import jax
import jax.numpy as jnp
from jax import lax
from jax.experimental import pallas as pl
from jax.experimental.pallas import tpu as pltpu
from jax.experimental.pallas import tpu_sc as plsc

_N_POINTS = 300000
_N_WORKERS = 30
_PER_W = _N_POINTS // _N_WORKERS
_CHUNK = 480
_FULL_CHUNKS = _PER_W // _CHUNK
_TAIL = _PER_W - _FULL_CHUNKS * _CHUNK

_VOX = (0.05, 0.05, 0.1)
_RMIN = (0.0, -40.0, -3.0)
_GRID = (1408, 1600, 40)


def _bin_one(p, rmin, vs, n):
    q = (p - rmin) / vs
    c = q.astype(jnp.int32)
    v = (q >= 0.0) & (c < n)
    return c, v


def _make_sc_kernel():
    mesh = plsc.VectorSubcoreMesh(core_axis_name="c", subcore_axis_name="s")

    @functools.partial(
        pl.kernel,
        out_type=jax.ShapeDtypeStruct((_N_POINTS, 3), jnp.int32),
        mesh=mesh,
        scratch_types=[
            pltpu.VMEM((_CHUNK, 4), jnp.float32),
            pltpu.VMEM((_CHUNK, 3), jnp.int32),
        ],
        compiler_params=pltpu.CompilerParams(needs_layout_passes=False),
    )
    def voxel_sc(pts_hbm, out_hbm, in_v, out_v):
        wid = lax.axis_index("s") * 2 + lax.axis_index("c")

        @pl.when(wid < _N_WORKERS)
        def _():
            iota = lax.iota(jnp.int32, 16)
            col0 = jnp.zeros((16,), jnp.int32)
            col1 = col0 + 1
            col2 = col0 + 2
            neg1 = jnp.full((16,), -1, jnp.int32)

            def do_chunk(base, nrows):
                pltpu.sync_copy(pts_hbm.at[pl.ds(base, nrows)],
                                in_v.at[pl.ds(0, nrows)])

                def body(i, carry2):
                    rows = iota + i * 16
                    x = plsc.load_gather(in_v, [rows, col0])
                    y = plsc.load_gather(in_v, [rows, col1])
                    z = plsc.load_gather(in_v, [rows, col2])
                    cx, vx = _bin_one(x, _RMIN[0], _VOX[0], _GRID[0])
                    cy, vy = _bin_one(y, _RMIN[1], _VOX[1], _GRID[1])
                    cz, vz = _bin_one(z, _RMIN[2], _VOX[2], _GRID[2])
                    valid = vx & vy & vz
                    plsc.store_scatter(out_v, [rows, col0],
                                       jnp.where(valid, cz, neg1))
                    plsc.store_scatter(out_v, [rows, col1],
                                       jnp.where(valid, cy, neg1))
                    plsc.store_scatter(out_v, [rows, col2],
                                       jnp.where(valid, cx, neg1))
                    return carry2

                lax.fori_loop(0, nrows // 16, body, 0)
                pltpu.sync_copy(out_v.at[pl.ds(0, nrows)],
                                out_hbm.at[pl.ds(base, nrows)])

            def chunk_body(k, carry):
                do_chunk(wid * _PER_W + k * _CHUNK, _CHUNK)
                return carry

            lax.fori_loop(0, _FULL_CHUNKS, chunk_body, 0)
            do_chunk(wid * _PER_W + _FULL_CHUNKS * _CHUNK, _TAIL)

    return voxel_sc


_voxel_sc = _make_sc_kernel()


def kernel(input):
    return _voxel_sc(input)

# --- scband reference (transcript-rebuilt; emitter-appended) ---
"""Pipeline reference for scband-voxel-layer-40716289966699 (READ-ONLY COPY).

The authoritative reference and input builder live on the scoring server;
editing this copy changes nothing except your own understanding.
"""

import jax, jax.numpy as jnp
import numpy as np

VOXEL_SIZE = np.array([0.05, 0.05, 0.1], dtype=np.float32)
PC_RANGE = np.array([0.0, -40.0, -3.0, 70.4, 40.0, 1.0], dtype=np.float32)
# grid_shape computed exactly like VoxelLayer.__init__: round((max - min) / voxel_size)
GRID = np.round((PC_RANGE[3:] - PC_RANGE[:3]) / VOXEL_SIZE).astype(np.int32)  # [1408, 1600, 40]


def setup_inputs(seed: int = 0) -> dict:
    key = jax.random.key(seed)
    points = jax.random.uniform(key, (300000, 4), dtype=jnp.float32)
    return {"input": points}


def reference(input) -> jnp.ndarray:
    # max_num_points == -1 -> dynamic voxelization branch of _Voxelization.forward:
    # per-point voxel coordinate, stored reversed (z, y, x); out-of-range points -> (-1, -1, -1).
    points = input
    vs = jnp.asarray(VOXEL_SIZE)
    rmin = jnp.asarray(PC_RANGE[:3])
    grid = jnp.asarray(GRID)
    c = jnp.floor((points[:, :3] - rmin) / vs).astype(jnp.int32)
    valid = jnp.all((c >= 0) & (c < grid), axis=1, keepdims=True)
    coors = jnp.where(valid, c[:, ::-1], jnp.int32(-1))
    return coors

if __name__ == "__main__":
    import jax
    _d = setup_inputs()
    print(jax.jit(kernel)(*tuple(_d.values())))

</pallas_src>

<mosaic_0001>
#map = affine_map<(d0, d1) -> (0, 0)>
module attributes {stable_mosaic.version = 14 : i64} {
  func.func @voxel_sc(%arg0: i32, %arg1: i32, %arg2: memref<300000x4xf32, #tpu.memory_space<hbm>>, %arg3: memref<300000x3xi32, #tpu.memory_space<hbm>>, %arg4: memref<480x4xf32, #tpu.memory_space<vmem>>, %arg5: memref<480x3xi32, #tpu.memory_space<vmem>>) attributes {dimension_semantics = [#tpu.dimension_semantics<core_parallel>, #tpu.dimension_semantics<subcore_parallel>], iteration_bounds = array<i64: 2, 16>, scalar_prefetch = 0 : i64, scratch_operands = 2 : i64, tpu.core_type = #tpu.core_type<sc_vector_subcore>, window_params = [{transform_indices = #map}, {transform_indices = #map}]} {
    %mul3A = arith.constant 2 : i32
    %mul3A_0 = arith.muli %arg1, %mul3A : i32
    %add3A = arith.addi %mul3A_0, %arg0 : i32
    %lt3A = arith.constant 30 : i32
    %lt3A_1 = arith.cmpi slt, %add3A, %lt3A : i32
    %convert_element_type3A = arith.extui %lt3A_1 : i1 to i32
    %cond3A = arith.constant 0 : i32
    %cond3A_2 = arith.cmpi ne, %convert_element_type3A, %cond3A : i32
    scf.if %cond3A_2 {
      %iota3A = tpu.iota {dimensions = array<i32: 0>} : vector<16xi32>
      %broadcast_in_dim3A = arith.constant 0 : i32
      %broadcast_in_dim3A_3 = vector.broadcast %broadcast_in_dim3A : i32 to vector<16xi32>
      %add3A_4 = arith.constant 1 : i32
      %add3A_5 = vector.broadcast %add3A_4 : i32 to vector<16xi32>
      %add3A_6 = arith.addi %broadcast_in_dim3A_3, %add3A_5 : vector<16xi32>
      %add3A_7 = arith.constant 2 : i32
      %add3A_8 = vector.broadcast %add3A_7 : i32 to vector<16xi32>
      %add3A_9 = arith.addi %broadcast_in_dim3A_3, %add3A_8 : vector<16xi32>
      %broadcast_in_dim3A_10 = arith.constant -1 : i32
      %broadcast_in_dim3A_11 = vector.broadcast %broadcast_in_dim3A_10 : i32 to vector<16xi32>
      %scan3A = arith.constant 0 : i32
      %scan3A_12 = arith.constant 0 : i32
      %scan3A_13 = arith.constant 20 : i32
      %scan3A_14 = arith.addi %scan3A_12, %scan3A_13 : i32
      %scan3A_15 = arith.constant 1 : i32
      scf.for %scan3A_27 = %scan3A_12 to %scan3A_14 step %scan3A_15  : i32 {
        %mul3A_28 = arith.constant 10000 : i32
        %mul3A_29 = arith.muli %add3A, %mul3A_28 : i32
        %mul3A_30 = arith.constant 480 : i32
        %mul3A_31 = arith.muli %scan3A_27, %mul3A_30 : i32
        %add3A_32 = arith.addi %mul3A_29, %mul3A_31 : i32
        "tpu.region"() ({
          %run_scoped3A = tpu.sem_alloc : memref<!tpu.dma_semaphore, #tpu.memory_space<semaphore_mem>>
          %dma_start3A = arith.constant 0 : i32
          %dma_start3A_39 = arith.constant 0 : i32
          %dma_start3A_40 = tpu.memref_slice %arg4[%dma_start3A, %dma_start3A_39] : memref<480x4xf32, #tpu.memory_space<vmem>> -> memref<480x4xf32, #tpu.memory_space<vmem>>
          %dma_start3A_41 = arith.constant 0 : i32
          %dma_start3A_42 = tpu.memref_slice %arg2[%add3A_32, %dma_start3A_41] : memref<300000x4xf32, #tpu.memory_space<hbm>> -> memref<480x4xf32, #tpu.memory_space<hbm>>
          %dma_start3A_43 = arith.constant 0 : i32
          %dma_start3A_44 = arith.constant 0 : i32
          %dma_start3A_45 = tpu.memref_slice %arg4[%dma_start3A_43, %dma_start3A_44] : memref<480x4xf32, #tpu.memory_space<vmem>> -> memref<480x4xf32, #tpu.memory_space<vmem>>
          %dma_start3A_46 = arith.constant 0 : i32
          %dma_start3A_47 = tpu.memref_slice %arg2[%add3A_32, %dma_start3A_46] : memref<300000x4xf32, #tpu.memory_space<hbm>> -> memref<480x4xf32, #tpu.memory_space<hbm>>
          tpu.enqueue_dma source(%dma_start3A_47 : memref<480x4xf32, #tpu.memory_space<hbm>>) target(%dma_start3A_45 : memref<480x4xf32, #tpu.memory_space<vmem>>) target_semaphore(%run_scoped3A : memref<!tpu.dma_semaphore, #tpu.memory_space<semaphore_mem>>)
          %dma_wait3A = arith.constant 0 : i32
          %dma_wait3A_48 = arith.constant 0 : i32
          %dma_wait3A_49 = tpu.memref_slice %arg4[%dma_wait3A, %dma_wait3A_48] : memref<480x4xf32, #tpu.memory_space<vmem>> -> memref<480x4xf32, #tpu.memory_space<vmem>>
          %dma_wait3A_50 = arith.constant 0 : i32
          %dma_wait3A_51 = tpu.memref_slice %arg2[%add3A_32, %dma_wait3A_50] : memref<300000x4xf32, #tpu.memory_space<hbm>> -> memref<480x4xf32, #tpu.memory_space<hbm>>
          %dma_wait3A_52 = arith.constant 0 : i32
          %dma_wait3A_53 = arith.constant 0 : i32
          %dma_wait3A_54 = tpu.memref_slice %arg4[%dma_wait3A_52, %dma_wait3A_53] : memref<480x4xf32, #tpu.memory_space<vmem>> -> memref<480x4xf32, #tpu.memory_space<vmem>>
          %dma_wait3A_55 = arith.constant 0 : i32
          %dma_wait3A_56 = tpu.memref_slice %arg2[%add3A_32, %dma_wait3A_55] : memref<300000x4xf32, #tpu.memory_space<hbm>> -> memref<480x4xf32, #tpu.memory_space<hbm>>
          tpu.wait_dma2 semaphore(%run_scoped3A : memref<!tpu.dma_semaphore, #tpu.memory_space<semaphore_mem>>) src(%dma_wait3A_56 : memref<480x4xf32, #tpu.memory_space<hbm>>) dst(%dma_wait3A_54 : memref<480x4xf32, #tpu.memory_space<vmem>>)
          tpu.yield
        }) : () -> ()
        %scan3A_33 = arith.constant 0 : i32
        %scan3A_34 = arith.constant 0 : i32
        %scan3A_35 = arith.constant 30 : i32
        %scan3A_36 = arith.addi %scan3A_34, %scan3A_35 : i32
        %scan3A_37 = arith.constant 1 : i32
        scf.for %scan3A_39 = %scan3A_34 to %scan3A_36 step %scan3A_37  : i32 {
          %mul3A_40 = arith.constant 16 : i32
          %mul3A_41 = arith.muli %scan3A_39, %mul3A_40 : i32
          %add3A_42 = vector.broadcast %mul3A_41 : i32 to vector<16xi32>
          %add3A_43 = arith.addi %iota3A, %add3A_42 : vector<16xi32>
          %gather3A = tpu.vector_load_idx %arg4[%add3A_43, %broadcast_in_dim3A_3] : memref<480x4xf32, #tpu.memory_space<vmem>>[vector<16xi32>, vector<16xi32>], vector<16xf32>,
          %gather3A_44 = tpu.vector_load_idx %arg4[%add3A_43, %add3A_6] : memref<480x4xf32, #tpu.memory_space<vmem>>[vector<16xi32>, vector<16xi32>], vector<16xf32>,
          %gather3A_45 = tpu.vector_load_idx %arg4[%add3A_43, %add3A_9] : memref<480x4xf32, #tpu.memory_space<vmem>>[vector<16xi32>, vector<16xi32>], vector<16xf32>,
          %sub3A = arith.constant 0.000000e+00 : f32
          %sub3A_46 = vector.broadcast %sub3A : f32 to vector<16xf32>
          %sub3A_47 = arith.subf %gather3A, %sub3A_46 : vector<16xf32>
          %div3A = arith.constant 5.000000e-02 : f32
          %div3A_48 = vector.broadcast %div3A : f32 to vector<16xf32>
          %div3A_49 = arith.divf %sub3A_47, %div3A_48 : vector<16xf32>
          %convert_element_type3A_50 = arith.fptosi %div3A_49 : vector<16xf32> to vector<16xi32>
          %ge3A = arith.constant 0.000000e+00 : f32
          %ge3A_51 = vector.broadcast %ge3A : f32 to vector<16xf32>
          %ge3A_52 = arith.cmpf oge, %div3A_49, %ge3A_51 : vector<16xf32>
          %lt3A_53 = arith.constant 1408 : i32
          %lt3A_54 = vector.broadcast %lt3A_53 : i32 to vector<16xi32>
          %lt3A_55 = arith.cmpi slt, %convert_element_type3A_50, %lt3A_54 : vector<16xi32>
          %and3A = arith.andi %ge3A_52, %lt3A_55 : vector<16xi1>
          %sub3A_56 = arith.constant -4.000000e+01 : f32
          %sub3A_57 = vector.broadcast %sub3A_56 : f32 to vector<16xf32>
          %sub3A_58 = arith.subf %gather3A_44, %sub3A_57 : vector<16xf32>
          %div3A_59 = arith.constant 5.000000e-02 : f32
          %div3A_60 = vector.broadcast %div3A_59 : f32 to vector<16xf32>
          %div3A_61 = arith.divf %sub3A_58, %div3A_60 : vector<16xf32>
          %convert_element_type3A_62 = arith.fptosi %div3A_61 : vector<16xf32> to vector<16xi32>
          %ge3A_63 = arith.constant 0.000000e+00 : f32
          %ge3A_64 = vector.broadcast %ge3A_63 : f32 to vector<16xf32>
          %ge3A_65 = arith.cmpf oge, %div3A_61, %ge3A_64 : vector<16xf32>
          %lt3A_66 = arith.constant 1600 : i32
          %lt3A_67 = vector.broadcast %lt3A_66 : i32 to vector<16xi32>
          %lt3A_68 = arith.cmpi slt, %convert_element_type3A_62, %lt3A_67 : vector<16xi32>
          %and3A_69 = arith.andi %ge3A_65, %lt3A_68 : vector<16xi1>
          %sub3A_70 = arith.constant -3.000000e+00 : f32
          %sub3A_71 = vector.broadcast %sub3A_70 : f32 to vector<16xf32>
          %sub3A_72 = arith.subf %gather3A_45, %sub3A_71 : vector<16xf32>
          %div3A_73 = arith.constant 1.000000e-01 : f32
          %div3A_74 = vector.broadcast %div3A_73 : f32 to vector<16xf32>
          %div3A_75 = arith.divf %sub3A_72, %div3A_74 : vector<16xf32>
          %convert_element_type3A_76 = arith.fptosi %div3A_75 : vector<16xf32> to vector<16xi32>
          %ge3A_77 = arith.constant 0.000000e+00 : f32
          %ge3A_78 = vector.broadcast %ge3A_77 : f32 to vector<16xf32>
          %ge3A_79 = arith.cmpf oge, %div3A_75, %ge3A_78 : vector<16xf32>
          %lt3A_80 = arith.constant 40 : i32
          %lt3A_81 = vector.broadcast %lt3A_80 : i32 to vector<16xi32>
          %lt3A_82 = arith.cmpi slt, %convert_element_type3A_76, %lt3A_81 : vector<16xi32>
          %and3A_83 = arith.andi %ge3A_79, %lt3A_82 : vector<16xi1>
          %and3A_84 = arith.andi %and3A, %and3A_69 : vector<16xi1>
          %and3A_85 = arith.andi %and3A_84, %and3A_83 : vector<16xi1>
          %select_n3A = arith.select %and3A_85, %convert_element_type3A_76, %broadcast_in_dim3A_11 : vector<16xi1>, vector<16xi32>
          tpu.vector_store_idx %arg5[%add3A_43, %broadcast_in_dim3A_3], %select_n3A : memref<480x3xi32, #tpu.memory_space<vmem>>[vector<16xi32>, vector<16xi32>], vector<16xi32>,
          %select_n3A_86 = arith.select %and3A_85, %convert_element_type3A_62, %broadcast_in_dim3A_11 : vector<16xi1>, vector<16xi32>
          tpu.vector_store_idx %arg5[%add3A_43, %add3A_6], %select_n3A_86 : memref<480x3xi32, #tpu.memory_space<vmem>>[vector<16xi32>, vector<16xi32>], vector<16xi32>,
          %select_n3A_87 = arith.select %and3A_85, %convert_element_type3A_50, %broadcast_in_dim3A_11 : vector<16xi1>, vector<16xi32>
          tpu.vector_store_idx %arg5[%add3A_43, %add3A_9], %select_n3A_87 : memref<480x3xi32, #tpu.memory_space<vmem>>[vector<16xi32>, vector<16xi32>], vector<16xi32>,
        }
        %scan3A_38 = arith.constant 30 : i32
        "tpu.region"() ({
          %run_scoped3A = tpu.sem_alloc : memref<!tpu.dma_semaphore, #tpu.memory_space<semaphore_mem>>
          %dma_start3A = arith.constant 0 : i32
          %dma_start3A_39 = arith.constant 0 : i32
          %dma_start3A_40 = tpu.memref_slice %arg5[%dma_start3A, %dma_start3A_39] : memref<480x3xi32, #tpu.memory_space<vmem>> -> memref<480x3xi32, #tpu.memory_space<vmem>>
          %dma_start3A_41 = arith.constant 0 : i32
          %dma_start3A_42 = tpu.memref_slice %arg3[%add3A_32, %dma_start3A_41] : memref<300000x3xi32, #tpu.memory_space<hbm>> -> memref<480x3xi32, #tpu.memory_space<hbm>>
          %dma_start3A_43 = arith.constant 0 : i32
          %dma_start3A_44 = tpu.memref_slice %arg3[%add3A_32, %dma_start3A_43] : memref<300000x3xi32, #tpu.memory_space<hbm>> -> memref<480x3xi32, #tpu.memory_space<hbm>>
          %dma_start3A_45 = arith.constant 0 : i32
          %dma_start3A_46 = arith.constant 0 : i32
          %dma_start3A_47 = tpu.memref_slice %arg5[%dma_start3A_45, %dma_start3A_46] : memref<480x3xi32, #tpu.memory_space<vmem>> -> memref<480x3xi32, #tpu.memory_space<vmem>>
          tpu.enqueue_dma source(%dma_start3A_47 : memref<480x3xi32, #tpu.memory_space<vmem>>) target(%dma_start3A_44 : memref<480x3xi32, #tpu.memory_space<hbm>>) target_semaphore(%run_scoped3A : memref<!tpu.dma_semaphore, #tpu.memory_space<semaphore_mem>>)
          %dma_wait3A = arith.constant 0 : i32
          %dma_wait3A_48 = arith.constant 0 : i32
          %dma_wait3A_49 = tpu.memref_slice %arg5[%dma_wait3A, %dma_wait3A_48] : memref<480x3xi32, #tpu.memory_space<vmem>> -> memref<480x3xi32, #tpu.memory_space<vmem>>
          %dma_wait3A_50 = arith.constant 0 : i32
          %dma_wait3A_51 = tpu.memref_slice %arg3[%add3A_32, %dma_wait3A_50] : memref<300000x3xi32, #tpu.memory_space<hbm>> -> memref<480x3xi32, #tpu.memory_space<hbm>>
          %dma_wait3A_52 = arith.constant 0 : i32
          %dma_wait3A_53 = tpu.memref_slice %arg3[%add3A_32, %dma_wait3A_52] : memref<300000x3xi32, #tpu.memory_space<hbm>> -> memref<480x3xi32, #tpu.memory_space<hbm>>
          %dma_wait3A_54 = arith.constant 0 : i32
          %dma_wait3A_55 = arith.constant 0 : i32
          %dma_wait3A_56 = tpu.memref_slice %arg5[%dma_wait3A_54, %dma_wait3A_55] : memref<480x3xi32, #tpu.memory_space<vmem>> -> memref<480x3xi32, #tpu.memory_space<vmem>>
          tpu.wait_dma2 semaphore(%run_scoped3A : memref<!tpu.dma_semaphore, #tpu.memory_space<semaphore_mem>>) src(%dma_wait3A_56 : memref<480x3xi32, #tpu.memory_space<vmem>>) dst(%dma_wait3A_53 : memref<480x3xi32, #tpu.memory_space<hbm>>)
          tpu.yield
        }) : () -> ()
      }
      %scan3A_16 = arith.constant 20 : i32
      %mul3A_17 = arith.constant 10000 : i32
      %mul3A_18 = arith.muli %add3A, %mul3A_17 : i32
      %add3A_19 = arith.constant 9600 : i32
      %add3A_20 = arith.addi %mul3A_18, %add3A_19 : i32
      "tpu.region"() ({
        %run_scoped3A = tpu.sem_alloc : memref<!tpu.dma_semaphore, #tpu.memory_space<semaphore_mem>>
        %dma_start3A = arith.constant 0 : i32
        %dma_start3A_27 = arith.constant 0 : i32
        %dma_start3A_28 = tpu.memref_slice %arg4[%dma_start3A, %dma_start3A_27] : memref<480x4xf32, #tpu.memory_space<vmem>> -> memref<400x4xf32, #tpu.memory_space<vmem>>
        %dma_start3A_29 = arith.constant 0 : i32
        %dma_start3A_30 = tpu.memref_slice %arg2[%add3A_20, %dma_start3A_29] : memref<300000x4xf32, #tpu.memory_space<hbm>> -> memref<400x4xf32, #tpu.memory_space<hbm>>
        %dma_start3A_31 = arith.constant 0 : i32
        %dma_start3A_32 = arith.constant 0 : i32
        %dma_start3A_33 = tpu.memref_slice %arg4[%dma_start3A_31, %dma_start3A_32] : memref<480x4xf32, #tpu.memory_space<vmem>> -> memref<400x4xf32, #tpu.memory_space<vmem>>
        %dma_start3A_34 = arith.constant 0 : i32
        %dma_start3A_35 = tpu.memref_slice %arg2[%add3A_20, %dma_start3A_34] : memref<300000x4xf32, #tpu.memory_space<hbm>> -> memref<400x4xf32, #tpu.memory_space<hbm>>
        tpu.enqueue_dma source(%dma_start3A_35 : memref<400x4xf32, #tpu.memory_space<hbm>>) target(%dma_start3A_33 : memref<400x4xf32, #tpu.memory_space<vmem>>) target_semaphore(%run_scoped3A : memref<!tpu.dma_semaphore, #tpu.memory_space<semaphore_mem>>)
        %dma_wait3A = arith.constant 0 : i32
        %dma_wait3A_36 = arith.constant 0 : i32
        %dma_wait3A_37 = tpu.memref_slice %arg4[%dma_wait3A, %dma_wait3A_36] : memref<480x4xf32, #tpu.memory_space<vmem>> -> memref<400x4xf32, #tpu.memory_space<vmem>>
        %dma_wait3A_38 = arith.constant 0 : i32
        %dma_wait3A_39 = tpu.memref_slice %arg2[%add3A_20, %dma_wait3A_38] : memref<300000x4xf32, #tpu.memory_space<hbm>> -> memref<400x4xf32, #tpu.memory_space<hbm>>
        %dma_wait3A_40 = arith.constant 0 : i32
        %dma_wait3A_41 = arith.constant 0 : i32
        %dma_wait3A_42 = tpu.memref_slice %arg4[%dma_wait3A_40, %dma_wait3A_41] : memref<480x4xf32, #tpu.memory_space<vmem>> -> memref<400x4xf32, #tpu.memory_space<vmem>>
        %dma_wait3A_43 = arith.constant 0 : i32
        %dma_wait3A_44 = tpu.memref_slice %arg2[%add3A_20, %dma_wait3A_43] : memref<300000x4xf32, #tpu.memory_space<hbm>> -> memref<400x4xf32, #tpu.memory_space<hbm>>
        tpu.wait_dma2 semaphore(%run_scoped3A : memref<!tpu.dma_semaphore, #tpu.memory_space<semaphore_mem>>) src(%dma_wait3A_44 : memref<400x4xf32, #tpu.memory_space<hbm>>) dst(%dma_wait3A_42 : memref<400x4xf32, #tpu.memory_space<vmem>>)
        tpu.yield
      }) : () -> ()
      %scan3A_21 = arith.constant 0 : i32
      %scan3A_22 = arith.constant 0 : i32
      %scan3A_23 = arith.constant 25 : i32
      %scan3A_24 = arith.addi %scan3A_22, %scan3A_23 : i32
      %scan3A_25 = arith.constant 1 : i32
      scf.for %scan3A_27 = %scan3A_22 to %scan3A_24 step %scan3A_25  : i32 {
        %mul3A_28 = arith.constant 16 : i32
        %mul3A_29 = arith.muli %scan3A_27, %mul3A_28 : i32
        %add3A_30 = vector.broadcast %mul3A_29 : i32 to vector<16xi32>
        %add3A_31 = arith.addi %iota3A, %add3A_30 : vector<16xi32>
        %gather3A = tpu.vector_load_idx %arg4[%add3A_31, %broadcast_in_dim3A_3] : memref<480x4xf32, #tpu.memory_space<vmem>>[vector<16xi32>, vector<16xi32>], vector<16xf32>,
        %gather3A_32 = tpu.vector_load_idx %arg4[%add3A_31, %add3A_6] : memref<480x4xf32, #tpu.memory_space<vmem>>[vector<16xi32>, vector<16xi32>], vector<16xf32>,
        %gather3A_33 = tpu.vector_load_idx %arg4[%add3A_31, %add3A_9] : memref<480x4xf32, #tpu.memory_space<vmem>>[vector<16xi32>, vector<16xi32>], vector<16xf32>,
        %sub3A = arith.constant 0.000000e+00 : f32
        %sub3A_34 = vector.broadcast %sub3A : f32 to vector<16xf32>
        %sub3A_35 = arith.subf %gather3A, %sub3A_34 : vector<16xf32>
        %div3A = arith.constant 5.000000e-02 : f32
        %div3A_36 = vector.broadcast %div3A : f32 to vector<16xf32>
        %div3A_37 = arith.divf %sub3A_35, %div3A_36 : vector<16xf32>
        %convert_element_type3A_38 = arith.fptosi %div3A_37 : vector<16xf32> to vector<16xi32>
        %ge3A = arith.constant 0.000000e+00 : f32
        %ge3A_39 = vector.broadcast %ge3A : f32 to vector<16xf32>
        %ge3A_40 = arith.cmpf oge, %div3A_37, %ge3A_39 : vector<16xf32>
        %lt3A_41 = arith.constant 1408 : i32
        %lt3A_42 = vector.broadcast %lt3A_41 : i32 to vector<16xi32>
        %lt3A_43 = arith.cmpi slt, %convert_element_type3A_38, %lt3A_42 : vector<16xi32>
        %and3A = arith.andi %ge3A_40, %lt3A_43 : vector<16xi1>
        %sub3A_44 = arith.constant -4.000000e+01 : f32
        %sub3A_45 = vector.broadcast %sub3A_44 : f32 to vector<16xf32>
        %sub3A_46 = arith.subf %gather3A_32, %sub3A_45 : vector<16xf32>
        %div3A_47 = arith.constant 5.000000e-02 : f32
        %div3A_48 = vector.broadcast %div3A_47 : f32 to vector<16xf32>
        %div3A_49 = arith.divf %sub3A_46, %div3A_48 : vector<16xf32>
        %convert_element_type3A_50 = arith.fptosi %div3A_49 : vector<16xf32> to vector<16xi32>
        %ge3A_51 = arith.constant 0.000000e+00 : f32
        %ge3A_52 = vector.broadcast %ge3A_51 : f32 to vector<16xf32>
        %ge3A_53 = arith.cmpf oge, %div3A_49, %ge3A_52 : vector<16xf32>
        %lt3A_54 = arith.constant 1600 : i32
        %lt3A_55 = vector.broadcast %lt3A_54 : i32 to vector<16xi32>
        %lt3A_56 = arith.cmpi slt, %convert_element_type3A_50, %lt3A_55 : vector<16xi32>
        %and3A_57 = arith.andi %ge3A_53, %lt3A_56 : vector<16xi1>
        %sub3A_58 = arith.constant -3.000000e+00 : f32
        %sub3A_59 = vector.broadcast %sub3A_58 : f32 to vector<16xf32>
        %sub3A_60 = arith.subf %gather3A_33, %sub3A_59 : vector<16xf32>
        %div3A_61 = arith.constant 1.000000e-01 : f32
        %div3A_62 = vector.broadcast %div3A_61 : f32 to vector<16xf32>
        %div3A_63 = arith.divf %sub3A_60, %div3A_62 : vector<16xf32>
        %convert_element_type3A_64 = arith.fptosi %div3A_63 : vector<16xf32> to vector<16xi32>
        %ge3A_65 = arith.constant 0.000000e+00 : f32
        %ge3A_66 = vector.broadcast %ge3A_65 : f32 to vector<16xf32>
        %ge3A_67 = arith.cmpf oge, %div3A_63, %ge3A_66 : vector<16xf32>
        %lt3A_68 = arith.constant 40 : i32
        %lt3A_69 = vector.broadcast %lt3A_68 : i32 to vector<16xi32>
        %lt3A_70 = arith.cmpi slt, %convert_element_type3A_64, %lt3A_69 : vector<16xi32>
        %and3A_71 = arith.andi %ge3A_67, %lt3A_70 : vector<16xi1>
        %and3A_72 = arith.andi %and3A, %and3A_57 : vector<16xi1>
        %and3A_73 = arith.andi %and3A_72, %and3A_71 : vector<16xi1>
        %select_n3A = arith.select %and3A_73, %convert_element_type3A_64, %broadcast_in_dim3A_11 : vector<16xi1>, vector<16xi32>
        tpu.vector_store_idx %arg5[%add3A_31, %broadcast_in_dim3A_3], %select_n3A : memref<480x3xi32, #tpu.memory_space<vmem>>[vector<16xi32>, vector<16xi32>], vector<16xi32>,
        %select_n3A_74 = arith.select %and3A_73, %convert_element_type3A_50, %broadcast_in_dim3A_11 : vector<16xi1>, vector<16xi32>
        tpu.vector_store_idx %arg5[%add3A_31, %add3A_6], %select_n3A_74 : memref<480x3xi32, #tpu.memory_space<vmem>>[vector<16xi32>, vector<16xi32>], vector<16xi32>,
        %select_n3A_75 = arith.select %and3A_73, %convert_element_type3A_38, %broadcast_in_dim3A_11 : vector<16xi1>, vector<16xi32>
        tpu.vector_store_idx %arg5[%add3A_31, %add3A_9], %select_n3A_75 : memref<480x3xi32, #tpu.memory_space<vmem>>[vector<16xi32>, vector<16xi32>], vector<16xi32>,
      }
      %scan3A_26 = arith.constant 25 : i32
      "tpu.region"() ({
        %run_scoped3A = tpu.sem_alloc : memref<!tpu.dma_semaphore, #tpu.memory_space<semaphore_mem>>
        %dma_start3A = arith.constant 0 : i32
        %dma_start3A_27 = arith.constant 0 : i32
        %dma_start3A_28 = tpu.memref_slice %arg5[%dma_start3A, %dma_start3A_27] : memref<480x3xi32, #tpu.memory_space<vmem>> -> memref<400x3xi32, #tpu.memory_space<vmem>>
        %dma_start3A_29 = arith.constant 0 : i32
        %dma_start3A_30 = tpu.memref_slice %arg3[%add3A_20, %dma_start3A_29] : memref<300000x3xi32, #tpu.memory_space<hbm>> -> memref<400x3xi32, #tpu.memory_space<hbm>>
        %dma_start3A_31 = arith.constant 0 : i32
        %dma_start3A_32 = tpu.memref_slice %arg3[%add3A_20, %dma_start3A_31] : memref<300000x3xi32, #tpu.memory_space<hbm>> -> memref<400x3xi32, #tpu.memory_space<hbm>>
        %dma_start3A_33 = arith.constant 0 : i32
        %dma_start3A_34 = arith.constant 0 : i32
        %dma_start3A_35 = tpu.memref_slice %arg5[%dma_start3A_33, %dma_start3A_34] : memref<480x3xi32, #tpu.memory_space<vmem>> -> memref<400x3xi32, #tpu.memory_space<vmem>>
        tpu.enqueue_dma source(%dma_start3A_35 : memref<400x3xi32, #tpu.memory_space<vmem>>) target(%dma_start3A_32 : memref<400x3xi32, #tpu.memory_space<hbm>>) target_semaphore(%run_scoped3A : memref<!tpu.dma_semaphore, #tpu.memory_space<semaphore_mem>>)
        %dma_wait3A = arith.constant 0 : i32
        %dma_wait3A_36 = arith.constant 0 : i32
        %dma_wait3A_37 = tpu.memref_slice %arg5[%dma_wait3A, %dma_wait3A_36] : memref<480x3xi32, #tpu.memory_space<vmem>> -> memref<400x3xi32, #tpu.memory_space<vmem>>
        %dma_wait3A_38 = arith.constant 0 : i32
        %dma_wait3A_39 = tpu.memref_slice %arg3[%add3A_20, %dma_wait3A_38] : memref<300000x3xi32, #tpu.memory_space<hbm>> -> memref<400x3xi32, #tpu.memory_space<hbm>>
        %dma_wait3A_40 = arith.constant 0 : i32
        %dma_wait3A_41 = tpu.memref_slice %arg3[%add3A_20, %dma_wait3A_40] : memref<300000x3xi32, #tpu.memory_space<hbm>> -> memref<400x3xi32, #tpu.memory_space<hbm>>
        %dma_wait3A_42 = arith.constant 0 : i32
        %dma_wait3A_43 = arith.constant 0 : i32
        %dma_wait3A_44 = tpu.memref_slice %arg5[%dma_wait3A_42, %dma_wait3A_43] : memref<480x3xi32, #tpu.memory_space<vmem>> -> memref<400x3xi32, #tpu.memory_space<vmem>>
        tpu.wait_dma2 semaphore(%run_scoped3A : memref<!tpu.dma_semaphore, #tpu.memory_space<semaphore_mem>>) src(%dma_wait3A_44 : memref<400x3xi32, #tpu.memory_space<vmem>>) dst(%dma_wait3A_41 : memref<400x3xi32, #tpu.memory_space<hbm>>)
        tpu.yield
      }) : () -> ()
    } else {
    }
    return
  }
}

</mosaic_0001>

<sc_bundles>
// kernel: kernel.3.cloned.1.call-start
scs
__scs_entry_jumppad:
0x0: {  	(pc) =	sbr.rel $0x88, $3  }
0x1: {  	(tag) =	ssettag $0x0;
	lr =	simm.s32 $0x1  }
0x2: {  	[smem:$0x3FA0] =	sst lr;
	_ =	strace $0xD0000000  }
0x3: {  	_ = 	snop  }
0x4: {  	_ = 	snop  }
0x5: {  	_ = 	snop  }
0x6: {  	_ = 	snop  }
0x7: {  	_ = 	snop  }
__scs_overlays_trampoline_lowered:
0x8: {  	[smem:$0x3FAF] =	sst s0  }
0x9: {  	[smem:$0x3FB0] =	sst s1  }
0xa: {  	[smem:$0x3FB1] =	sst s2  }
0xb: {  	[smem:$0x3FB2] =	sst s3  }
0xc: {  	[smem:$0x3FB3] =	sst s4  }
0xd: {  	[smem:$0x3FB4] =	sst s5  }
0xe: {  	[smem:$0x3FB5] =	sst s6  }
0xf: {  	[smem:$0x3FB6] =	sst s7  }
0x10: {  	[smem:$0x3FB7] =	sst s8  }
0x11: {  	[smem:$0x3FB8] =	sst s9;
	s0 =	simm.s32 @!p0 $0x0  }
0x12: {  	s1 =	sld [smem:$0x3F9E];
	s0 =	simm.s32 @p0 $0x1  }
0x13: {  	[smem:$0x3FB9] =	sst s0;
	s0 =	simm.s32 @!p1 $0x0  }
0x14: {  	s2 =	sld [smem:$0x3F9D];
	s0 =	simm.s32 @p1 $0x1  }
0x15: {  	[smem:$0x3FBA] =	sst s0;
	s0 =	simm.s32 @!p2 $0x0  }
0x16: {  	s3 =	sld [smem:$0x3FDB];
	s0 =	simm.s32 @p2 $0x1  }
0x17: {  	s4 =	simm.s32 $0x1BF5;
	[smem:$0x3FBC] =	sst s0  }
0x18: {  	s0 =	sld [smem:$0x3F9F];
	_ =	swait.ge [sflag:s4], $0x0  }
0x19: {  	s7 =	sld [smem:$0x3FA0]  }
0x1a: {  	s8 =	sadd.s32 $0xFFFFE003, lr  }
0x1b: {  	s9 =	sadd.s32 $0xFFFFFEF7, lr;
	s5 =	simm.s32 $0xFFFFFFFF;
	p2 =	slt.u32 s8, $0xFFFFF086  }
0x1c: {  	p1 =	slt.u32 s9, $0xF7A;
	s5 =	simm.s32 @!p2 $0x0  }
0x1d: {  	s5 =	simm.s32 @p1 $0x1;
	p0 =	seq.s32 s7, s2  }
0x1e: {  	s7 =	smul.u32 @!p0 $0xF7A, s2;
	p2 =	seq.s32 @!p0 s5, $0x0  }
0x1f: {  	s9 =	smul.u32 $0xF7A, s1;
	s8 =	simm.s32 @!p0 $0x1BF5;
	p2 =	por !p2, p0  }
0x20: {  	[sflag:s8] =	ssyncset.s32 @!p0 $0xFFFFF086;
	s6 =	sadd.s32 @!p0 s3, s7;
	s7 =	simm.s32 @!p0 $0x108  }
0x21: {  	s3 =	sadd.s32 s3, s9;
	s6 =	sadd.s32 @!p0 $0x88, s6;
	s7 =	simm.s32 @p2 $0x1082  }
0x22: {  	[simem:s7], [sflag:s8] =	dma.local @!p0 [hbm:s6], $0xF7A  }
0x23: {  	s9 =	sor.u32 $0xD0000000, s2;
	s6 =	simm.s32 $0x108;
	_ =	swait.ge @!p0 [sflag:s8], $0x0  }
0x24: {  	s3 =	sadd.s32 $0x88, s3;
	s6 =	simm.s32 @!p1 $0x1082;
	[sflag:s4] =	ssyncset.s32 $0xFFFFF086  }
0x25: {  	[simem:s6], [sflag:s4] =	dma.local [hbm:s3], $0xF7A  }
0x26: {  	[smem:$0x3FA0] =	sst s1;
	(tag) =	ssettag s2;
	_ =	strace s9  }
0x27: {  	s1 =	sld [smem:$0x3FB0]  }
0x28: {  	s2 =	sld [smem:$0x3FB1]  }
0x29: {  	s4 =	sld [smem:$0x3FB3]  }
0x2a: {  	p0 =	seq.s32 s5, $0x0;
	s5 =	sld [smem:$0x3FB4]  }
0x2b: {  	s6 =	sld [smem:$0x3FB5]  }
0x2c: {  	s7 =	sld [smem:$0x3FB6]  }
0x2d: {  	s3 =	simm.s32 $0x108;
	s8 =	sld [smem:$0x3FB7]  }
0x2e: {  	s3 =	simm.s32 @!p0 $0x1082;
	s9 =	sld [smem:$0x3FB8]  }
0x2f: {  	lr =	sadd.s32 s0, s3;
	s0 =	sld [smem:$0x3FAF]  }
0x30: {  	s3 =	sld [smem:$0x3FB2]  }
0x31: {  	[smem:$0x3FBB] =	sst s10  }
0x32: {  	s10 =	sld [smem:$0x3FB9];
	_ =	sdelay $0x3  }
0x33: {  	p0 =	seq.s32 s10, $0x1;
	s10 =	sld [smem:$0x3FBB];
	_ =	sdelay $0x3  }
0x34: {  	[smem:$0x3FBB] =	sst s10  }
0x35: {  	s10 =	sld [smem:$0x3FBA];
	_ =	sdelay $0x3  }
0x36: {  	p1 =	seq.s32 s10, $0x1;
	s10 =	sld [smem:$0x3FBB];
	_ =	sdelay $0x3  }
0x37: {  	[smem:$0x3FBB] =	sst s10  }
0x38: {  	s10 =	sld [smem:$0x3FBC]  }
0x39: {  	_ = 	snop;
	(pc) =	sbr.ind lr, $3  }
0x3a: {  	_ = 	snop  }
0x3b: {  	_ = 	snop  }
0x3c: {  	p2 =	seq.s32 s10, $0x1;
	s10 =	sld [smem:$0x3FBB]  }
0x3d: {  	_ =	shalt  }
0x3e: {  	_ =	shalt  }
0x3f: {  	_ =	shalt  }
0x40: {  	_ =	shalt  }
0x41: {  	_ =	shalt  }
0x42: {  	_ =	shalt  }
0x43: {  	_ =	shalt  }
0x44: {  	_ =	shalt  }
0x45: {  	_ =	shalt  }
0x46: {  	_ =	shalt  }
0x47: {  	_ =	shalt  }
0x48: {  	_ =	shalt  }
0x49: {  	_ =	shalt  }
0x4a: {  	_ =	shalt  }
0x4b: {  	_ =	shalt  }
0x4c: {  	_ =	shalt  }
0x4d: {  	_ =	shalt  }
0x4e: {  	_ =	shalt  }
0x4f: {  	_ =	shalt  }
0x50: {  	_ =	shalt  }
0x51: {  	_ =	shalt  }
0x52: {  	_ =	shalt  }
0x53: {  	_ =	shalt  }
0x54: {  	_ =	shalt  }
0x55: {  	_ =	shalt  }
0x56: {  	_ =	shalt  }
0x57: {  	_ =	shalt  }
0x58: {  	_ =	shalt  }
0x59: {  	_ =	shalt  }
0x5a: {  	_ =	shalt  }
0x5b: {  	_ =	shalt  }
0x5c: {  	_ =	shalt  }
0x5d: {  	_ =	shalt  }
0x5e: {  	_ =	shalt  }
0x5f: {  	_ =	shalt  }
0x60: {  	_ =	shalt  }
0x61: {  	_ =	shalt  }
0x62: {  	_ =	shalt  }
0x63: {  	_ =	shalt  }
0x64: {  	_ =	shalt  }
0x65: {  	_ =	shalt  }
0x66: {  	_ =	shalt  }
0x67: {  	_ =	shalt  }
0x68: {  	_ =	shalt  }
0x69: {  	_ =	shalt  }
0x6a: {  	_ =	shalt  }
0x6b: {  	_ =	shalt  }
0x6c: {  	_ =	shalt  }
0x6d: {  	_ =	shalt  }
0x6e: {  	_ =	shalt  }
0x6f: {  	_ =	shalt  }
0x70: {  	_ =	shalt  }
0x71: {  	_ =	shalt  }
0x72: {  	_ =	shalt  }
0x73: {  	_ =	shalt  }
0x74: {  	_ =	shalt  }
0x75: {  	_ =	shalt  }
0x76: {  	_ =	shalt  }
0x77: {  	_ =	shalt  }
0x78: {  	_ =	shalt  }
0x79: {  	_ =	shalt  }
0x7a: {  	_ =	shalt  }
0x7b: {  	_ =	shalt  }
0x7c: {  	_ =	shalt  }
0x7d: {  	_ =	shalt  }
0x7e: {  	_ =	shalt  }
0x7f: {  	_ =	shalt  }
0x80: {  	_ =	shalt  }
0x81: {  	_ =	shalt  }
0x82: {  	_ =	shalt  }
0x83: {  	_ =	shalt  }
0x84: {  	_ =	shalt  }
0x85: {  	_ =	shalt  }
0x86: {  	_ =	shalt  }
0x87: {  	_ =	shalt  }
.Lfunc_end0:
.L_simem_size_0:
called_computation_lowered:
.L_overlay_start_0:
0x88: {  	s2 =	sld [smem:$0x3FD9]  }
0x89: {  	s3 =	sld [smem:$0x3FFE];
	_ =	sdelay $0x1  }
0x8a: {  	s1 =	srdreg.scid  }
0x8b: {  	s0 =	sand.u32 $0x1, s1  }
0x8c: {  	s16 =	sshll.u32 s0, $0xA;
	s2 =	sadd.s32 s3, s2  }
0x8d: {  	s2 =	sadd.s32 s2, s16  }
0x8e: {  	[smem:$0x3FC7] =	sst s2  }
0x8f: {  	_ = 	snop  }
0x90: {  	(tm) =	ssettm $0x1  }
0x91: {  	s17 =	sld [smem:$0x3FFB];
	_ =	sdelay $0x3  }
0x92: {  	_ =	strace s17  }
0x93: {  	s2 =	sld [smem:$0x3FFC];
	_ =	sdelay $0x3  }
0x94: {  	_ =	strace s2  }
0x95: {  	s2 =	sld [smem:$0x3FFD];
	_ =	sdelay $0x3  }
0x96: {  	_ =	strace s2  }
0x97: {  	_ =	strace $0x8FFFFFFF  }
0x98: {  	s18 =	sld [smem:$0x3FDB];
	_ =	sdelay $0x1  }
0x99: {  	s19 =	simm.s32 $_scs_section_size  }
0x9a: {  	s4 =	simm.s32 $_size__tile_overlayer_lowered;
	s5 =	simm.s32 $_tile_overlayer_lowered  }
0x9b: {  	s22 =	simm.s32 $0x1BFF;
	s21 =	sshll.u32 s5, $0x1;
	s2 =	sadd.s32 s19, s18  }
0x9c: {  	s6 =	simm.s32 $0x0;
	s20 =	sshll.u32 s4, $0x1;
	s4 =	sadd.s32 s21, s2  }
0x9d: {  	[timem:s6], [sflag:s22] =	dma.local [hbm:s4], s20  }
0x9e: {  	_ =	swait.ge [sflag:s22], s20  }
0x9f: {  	s3 =	ssub.s32 $0x0, s20;
	[sflag:s22] =	ssyncset.done $0x0  }
0xa0: {  	[sflag:s22] =	ssyncadd.s32 s3;
	_ =	sdelay $0x1  }
0xa1: {  	s23 =	simm.s32 $0x1B8B  }
0xa2: {  	_ =	swait.ge [sflag:s23], $0x1  }
0xa3: {  	[sflag:s23] =	ssyncset.done $0x0  }
0xa4: {  	s25 =	simm.s32 $0x1B8E;
	s24 =	sld [smem:$0x3FFE];
	[sflag:s23] =	ssyncadd.s32 $0xFFFFFFFF  }
0xa5: {  	s26 =	simm.s32 $execute0_lowered;
	[smem:$0x3FD2] =	sst s25  }
0xa6: {  	s4 =	sshll.u32 s26, $0x1;
	_ =	strace $0x80000046;
	[dreg:$0x1] =	wrdreg $0xFFFFFFFF  }
0xa7: {  	s28 =	simm.s32 $_size_execute0_lowered;
	s2 =	sadd.s32 s2, s4;
	[dreg:$0x0] =	wrdreg $0x0  }
0xa8: {  	s4 =	sshll.u32 s28, $0x1;
	[dreg:$0x2] =	wrdreg s2  }
0xa9: {  	[dreg:$0x3] =	wrdreg s4  }
0xaa: {  	[dreg:$0x4] =	wrdreg $0xC0  }
0xab: {  	_ =	task [dreg:s6], $0x5FFFF  }
0xac: {  	[dreg:$0x1] =	wrdreg $0xFFFFFFFF  }
0xad: {  	[dreg:$0x0] =	wrdreg $0x60  }
0xae: {  	[dreg:$0x2] =	wrdreg s24  }
0xaf: {  	[dreg:$0x3] =	wrdreg $0x9  }
0xb0: {  	_ =	task.clear_ibuf [dreg:s6], $0x4FFFF;
	_ =	strace $0x90000046  }
0xb1: {  	s29 =	simm.s32 $0x9;
	_ =	strace $0x80000048  }
0xb2: {  	_ =	swait.ge [sflag:s29], $0x1  }
0xb3: {  	[sflag:s29] =	ssyncadd.s32 $0xFFFFFFFF  }
0xb4: {  	_ =	strace $0x90000048  }
0xb5: {  	_ =	sfence  }
0xb6: {  	s30 =	sld [smem:$0x0];
	_ =	sdelay $0x2  }
0xb7: {  	s31 =	sshll.u32 s1, $0xD;
	s1 =	sshrl.u32 s1, $0x2  }
0xb8: {  	s3 =	sand.u32 $0x4000, s31;
	s1 =	sadd.s32 s1, s30  }
0xb9: {  	s0 =	sor.u32 s3, s0;
	s1 =	sshll.u32 s1, $0x11  }
0xba: {  	s0 =	sor.u32 s1, s0  }
0xbb: {  	s0 =	sadd.s32 $0x8F2B, s0  }
0xbc: {  	[sflag:s0] =	ssyncadd.remote.s32 $0x1  }
0xbd: {  	_ =	sfence.sel $0xFFFF  }
0xbe: {  	[dreg:$0x0] =	wrdreg $0xFFFFFFFF;
	(pc) =	sbr.abs _section_cstart, $3  }
0xbf: {  	[dreg:$0x1] =	wrdreg $0xFFFFFFFF  }
0xc0: {  	_ =	task.clear_ibuf [dreg:s6], $0x2FFFF;
	_ =	strace $0x9FFFFFFF  }
0xc1: {  	(tm) =	ssettm $0x7FFFFFFF  }
tec
execute0_lowered:
.L_overlay_start_1:
0x0: {  	(tag) =	ssettag $0x1  }
0x1: {  	s4 =	rddreg [dreg:$0x0];
	s1 =	simm.s32 $0x0  }
0x2: {  	[smem:$0x7FF] =	sst s1  }
0x3: {  	s0 =	rddreg [dreg:$0x1];
	v0 =	vimm.f32 $5.000000070e-02;
	_ =	strace $0x80000047  }
0x4: {  	(erf) = vrcp.f32 v0;
	v0 =	vimm.f32 $1.000000010e-01  }
0x5: {  	(erf) = vrcp.f32 v0;
	_ =	sdelay $0x2  }
0x6: {  	s2 =	stileid.u32  }
0x7: {  	p0 =	seq.s32 s2, $0xF  }
.Ltmp0:
0x8: {  	_ = 	snop;
	(pc) =	sbr.rel @p0 .LBB2_9-.Ltmp0, $3  }
0x9: {  	_ =	sdelay $0x1  }
0xa: {  	v0 =	vpop (erf)  }
0xb: {  	v1 =	vpop (erf)  }
0xc: {  	s3 =	srdreg.scid  }
0xd: {  	s31 =	sshll.u32 s2, $0x1;
	s5 =	sand.u32 $0x1, s3  }
0xe: {  	s6 =	sor.u32 s5, s31  }
0xf: {  	s10 =	simm.s32 $0xF000;
	s11 =	simm.s32 $0x0;
	s7 =	smul.u32 $0x138800, s6  }
0x10: {  	s3 =	sadd.s32 $0x400, s4;
	s4 =	sadd.s32 $0x494200, s4;
	s8 =	ssub.s32 $0x2, s5  }
0x11: {  	s9 =	sshrl.u32 s8, $0x1;
	s5 =	smul.u32 $0x2710, s6;
	s7 =	sshrl.u32 s7, $0x3  }
0x12: {  	v2 =	vlaneseq.u32;
	s8 =	ssub.s32 s8, s9;
	s9 =	simm.s32 $0x1;
	s7 =	sadd.s32 $0x25800, s7  }
0x13: {  	v2 =	vmul.u32 $0x80, v2;
	s8 =	smax.u32 s8, $0x1;
	s6 =	sadd.s32 s3, s7;
	s7 =	sadd.s32 s4, s7  }
.LBB2_2:
0x14: {  	s12 =	simm.s32 $0x0;
	s13 =	simm.s32 $0x0  }
.LBB2_3:
0x15: {  	s14 =	smul.u32 $0x1E0, s13  }
0x16: {  	v3 =	vmov s12  }
0x17: {  	v3 =	vshll.u32 v3, $0x7;
	s14 =	sadd.s32 s5, s14  }
0x18: {  	v8 =	vor.u32 v2, v3;
	s14 =	sshll.u32 s14, $0x4  }
0x19: {  	v3 =	vor.u32 $0x1, v8;
	s15 =	sadd.s32 s3, s14  }
0x1a: {  	v4 =	vor.u32 $0x2, v8;
	[tilespmem:s12], [sflag:$0x1] =	stream.linear.gather [hbm4b:s15+s12], $0xF000, $0x38;
	[tilespmem:$0x1E000] =	vst v63  }
0x1b: {  	_ =	swait.ge [sflag:s9], $0xF000  }
0x1c: {  	[sflag:s9] =	ssyncset.done $0x0  }
0x1d: {  	[sflag:s9] =	ssyncadd.s32 $0xFFFF1000  }
0x1e: {  	v5 =	vld.idx.msk [tilespmem:v3+s1+$0x0], $0xffff  }
0x1f: {  	v6 =	vld.idx.msk [tilespmem:v4+s1+$0x0], $0xffff  }
0x20: {  	v7 =	vld.idx.msk [tilespmem:v8+s1+$0x0], $0xffff;
	_ =	sdelay $0x3  }
0x21: {  	v5 =	vadd.f32 $4.000000000e+01, v5  }
0x22: {  	v6 =	vadd.f32 $3.000000000e+00, v6;
	v7 =	vmul.f32 v7, v0  }
0x23: {  	v5 =	vmul.f32 v5, v0  }
0x24: {  	v6 =	vmul.f32 v6, v1;
	v9 =	vtrunc.f32 v7  }
0x25: {  	v12 =	vcvt.f32.s32 v9;
	v10 =	vtrunc.f32 v5  }
0x26: {  	vm1 =	vge.f32 v7, $0.0e+00;
	v11 =	vtrunc.f32 v6;
	v10 =	vcvt.f32.s32 v10  }
0x27: {  	s31 =	simm.s32 $0x10;
	vm0 =	vge.f32 v6, $0.0e+00;
	vm2 =	vge.f32 v5, $0.0e+00;
	v9 =	vcvt.f32.s32 v11  }
0x28: {  	v5 =	vmov s31;
	vm4 =	vlt.s32 v12, $0x580;
	vm3 =	vlt.s32 v10, $0x640  }
0x29: {  	vm1 =	vmand vm1, vm4;
	vm15 =	vlt.s32 v9, $0x28;
	vm2 =	vmand vm2, vm3  }
0x2a: {  	v5 =	vshll.u32 v5, $0x7;
	vm0 =	vmand vm0, vm15;
	vm1 =	vmand vm1, vm2  }
0x2b: {  	v5 =	vor.u32 v2, v5;
	vm0 =	vmand vm1, vm0  }
0x2c: {  	v6 =	vor.u32 $0x1, v5;
	v11 =	vnsel vm0, $0xFFFFFFFF, v9  }
0x2d: {  	s15 =	simm.s32 $0x20;
	v7 =	vor.u32 $0x2, v5;
	v9 =	vnsel vm0, $0xFFFFFFFF, v10;
	[tilespmem:v8+s10+$0x0] =	vst.idx.msk $0xffff, v11;
	v8 =	vnsel vm0, $0xFFFFFFFF, v12  }
.LBB2_4:
0x2e: {  	p0 =	sne.s32 s15, $0x1D0;
	[tilespmem:v3+s10+$0x0] =	vst.idx.msk $0xffff, v9;
	v3 =	vmov v6;
	s16 =	smov.u32 s15;
	s15 =	sadd.s32 $0x10, s15  }
0x2f: {  	[tilespmem:v4+s10+$0x0] =	vst.idx.msk $0xffff, v8;
	v4 =	vmov v7  }
0x30: {  	v6 =	vld.idx.msk [tilespmem:v6+s1+$0x0], $0xffff  }
0x31: {  	v7 =	vld.idx.msk [tilespmem:v7+s1+$0x0], $0xffff  }
0x32: {  	v8 =	vld.idx.msk [tilespmem:v5+s1+$0x0], $0xffff;
	_ =	sdelay $0x3  }
0x33: {  	v6 =	vadd.f32 $4.000000000e+01, v6  }
0x34: {  	v7 =	vadd.f32 $3.000000000e+00, v7  }
0x35: {  	v8 =	vmul.f32 v8, v0;
	v6 =	vmul.f32 v6, v0  }
0x36: {  	v7 =	vmul.f32 v7, v1  }
0x37: {  	v9 =	vtrunc.f32 v8;
	v10 =	vtrunc.f32 v6  }
0x38: {  	v10 =	vcvt.f32.s32 v10;
	v11 =	vtrunc.f32 v7  }
0x39: {  	v12 =	vcvt.f32.s32 v9;
	vm0 =	vge.f32 v7, $0.0e+00;
	v9 =	vcvt.f32.s32 v11  }
0x3a: {  	vm1 =	vge.f32 v8, $0.0e+00;
	vm2 =	vge.f32 v6, $0.0e+00;
	vm3 =	vlt.s32 v10, $0x640  }
0x3b: {  	v6 =	vmov s16;
	vm4 =	vlt.s32 v12, $0x580;
	vm2 =	vmand vm2, vm3  }
.Ltmp1:
0x3c: {  	v6 =	vshll.u32 v6, $0x7;
	vm1 =	vmand vm1, vm4;
	vm3 =	vlt.s32 v9, $0x28;
	(pc) =	sbr.rel @p0 .LBB2_4-.Ltmp1, $4  }
0x3d: {  	v11 =	vor.u32 v2, v6;
	vm0 =	vmand vm0, vm3;
	vm1 =	vmand vm1, vm2  }
0x3e: {  	v6 =	vor.u32 $0x1, v11;
	vm0 =	vmand vm1, vm0  }
0x3f: {  	v7 =	vor.u32 $0x2, v11;
	v8 =	vnsel vm0, $0xFFFFFFFF, v9;
	v9 =	vnsel vm0, $0xFFFFFFFF, v10  }
0x40: {  	[tilespmem:v5+s10+$0x0] =	vst.idx.msk $0xffff, v8;
	v8 =	vnsel vm0, $0xFFFFFFFF, v12;
	v5 =	vmov v11  }
0x41: {  	_ =	sdelay $0x3  }
0x42: {  	[tilespmem:v3+s10+$0x0] =	vst.idx.msk $0xffff, v9  }
0x43: {  	[tilespmem:v4+s10+$0x0] =	vst.idx.msk $0xffff, v8  }
0x44: {  	v3 =	vld.idx.msk [tilespmem:v6+s1+$0x0], $0xffff  }
0x45: {  	v4 =	vld.idx.msk [tilespmem:v7+s1+$0x0], $0xffff  }
0x46: {  	v8 =	vld.idx.msk [tilespmem:v5+s1+$0x0], $0xffff;
	_ =	sdelay $0x3  }
0x47: {  	v3 =	vadd.f32 $4.000000000e+01, v3  }
0x48: {  	v4 =	vadd.f32 $3.000000000e+00, v4;
	v8 =	vmul.f32 v8, v0  }
0x49: {  	v3 =	vmul.f32 v3, v0  }
0x4a: {  	v4 =	vmul.f32 v4, v1;
	v10 =	vtrunc.f32 v8  }
0x4b: {  	v10 =	vcvt.f32.s32 v10;
	v62 =	vtrunc.f32 v3  }
0x4c: {  	v11 =	vtrunc.f32 v4;
	v9 =	vcvt.f32.s32 v62  }
0x4d: {  	vm1 =	vge.f32 v8, $0.0e+00;
	vm0 =	vge.f32 v4, $0.0e+00;
	v11 =	vcvt.f32.s32 v11  }
0x4e: {  	vm2 =	vge.f32 v3, $0.0e+00;
	vm4 =	vlt.s32 v10, $0x580;
	vm3 =	vlt.s32 v9, $0x640  }
0x4f: {  	vm1 =	vmand vm1, vm4;
	vm15 =	vlt.s32 v11, $0x28;
	vm2 =	vmand vm2, vm3  }
0x50: {  	vm0 =	vmand vm0, vm15;
	vm1 =	vmand vm1, vm2  }
0x51: {  	vm0 =	vmand vm1, vm0  }
0x52: {  	v3 =	vnsel vm0, $0xFFFFFFFF, v11  }
0x53: {  	s13 =	sadd.s32 $0x1, s13;
	v63 =	vnsel vm0, $0xFFFFFFFF, v9;
	[tilespmem:v5+s10+$0x0] =	vst.idx.msk $0xffff, v3  }
0x54: {  	p0 =	sne.s32 s13, $0x14;
	v3 =	vnsel vm0, $0xFFFFFFFF, v10;
	[tilespmem:v6+s10+$0x0] =	vst.idx.msk $0xffff, v63  }
.Ltmp2:
0x55: {  	s14 =	sadd.s32 s4, s14;
	[tilespmem:v7+s10+$0x0] =	vst.idx.msk $0xffff, v3;
	(pc) =	sbr.rel @p0 .LBB2_3-.Ltmp2, $4  }
0x56: {  	[hbm4b:s14+s1] =	stream.linear.scatter [tilespmem:s10], [sflag:$0x1], $0xF000, $0x38;
	[tilespmem:$0x1E000] =	vst v63  }
0x57: {  	_ =	swait.ge [sflag:s9], $0xF000  }
0x58: {  	[sflag:s9] =	ssyncset.done $0x0  }
0x59: {  	[sflag:s9] =	ssyncadd.s32 $0xFFFF1000  }
0x5a: {  	s12 =	simm.s32 $0x0  }
0x5b: {  	v3 =	vmov s12  }
0x5c: {  	v3 =	vshll.u32 v3, $0x7  }
0x5d: {  	v8 =	vor.u32 v2, v3  }
0x5e: {  	[tilespmem:s12], [sflag:$0x1] =	stream.linear.gather [hbm4b:s6+s12], $0xC800, $0x38;
	v3 =	vor.u32 $0x1, v8;
	[tilespmem:$0x1E000] =	vst v63  }
0x5f: {  	_ =	swait.ge [sflag:s9], $0xC800;
	v4 =	vor.u32 $0x2, v8  }
0x60: {  	[sflag:s9] =	ssyncset.done $0x0  }
0x61: {  	[sflag:s9] =	ssyncadd.s32 $0xFFFF3800  }
0x62: {  	v7 =	vld.idx.msk [tilespmem:v8+s1+$0x0], $0xffff  }
0x63: {  	v5 =	vld.idx.msk [tilespmem:v3+s1+$0x0], $0xffff  }
0x64: {  	v6 =	vld.idx.msk [tilespmem:v4+s1+$0x0], $0xffff;
	_ =	sdelay $0x3  }
0x65: {  	v5 =	vadd.f32 $4.000000000e+01, v5  }
0x66: {  	v7 =	vmul.f32 v7, v0;
	v6 =	vadd.f32 $3.000000000e+00, v6  }
0x67: {  	v5 =	vmul.f32 v5, v0  }
0x68: {  	v9 =	vtrunc.f32 v7;
	v6 =	vmul.f32 v6, v1  }
0x69: {  	v12 =	vcvt.f32.s32 v9;
	v10 =	vtrunc.f32 v5  }
0x6a: {  	vm1 =	vge.f32 v7, $0.0e+00;
	v11 =	vtrunc.f32 v6;
	v10 =	vcvt.f32.s32 v10  }
0x6b: {  	s31 =	simm.s32 $0x10;
	vm0 =	vge.f32 v6, $0.0e+00;
	vm2 =	vge.f32 v5, $0.0e+00;
	v9 =	vcvt.f32.s32 v11  }
0x6c: {  	v5 =	vmov s31;
	vm4 =	vlt.s32 v12, $0x580;
	vm3 =	vlt.s32 v10, $0x640  }
0x6d: {  	vm1 =	vmand vm1, vm4;
	vm15 =	vlt.s32 v9, $0x28;
	vm2 =	vmand vm2, vm3  }
0x6e: {  	v5 =	vshll.u32 v5, $0x7;
	vm0 =	vmand vm0, vm15;
	vm1 =	vmand vm1, vm2  }
0x6f: {  	v5 =	vor.u32 v2, v5;
	vm0 =	vmand vm1, vm0  }
0x70: {  	v6 =	vor.u32 $0x1, v5;
	v11 =	vnsel vm0, $0xFFFFFFFF, v9  }
0x71: {  	s12 =	simm.s32 $0x20;
	v7 =	vor.u32 $0x2, v5;
	v9 =	vnsel vm0, $0xFFFFFFFF, v10;
	[tilespmem:v8+s10+$0x0] =	vst.idx.msk $0xffff, v11;
	v8 =	vnsel vm0, $0xFFFFFFFF, v12  }
.LBB2_7:
0x72: {  	p0 =	sne.s32 s12, $0x180;
	[tilespmem:v3+s10+$0x0] =	vst.idx.msk $0xffff, v9;
	v3 =	vmov v6;
	s13 =	smov.u32 s12;
	s12 =	sadd.s32 $0x10, s12  }
0x73: {  	[tilespmem:v4+s10+$0x0] =	vst.idx.msk $0xffff, v8;
	v4 =	vmov v7  }
0x74: {  	v6 =	vld.idx.msk [tilespmem:v6+s1+$0x0], $0xffff  }
0x75: {  	v7 =	vld.idx.msk [tilespmem:v7+s1+$0x0], $0xffff  }
0x76: {  	v8 =	vld.idx.msk [tilespmem:v5+s1+$0x0], $0xffff;
	_ =	sdelay $0x3  }
0x77: {  	v6 =	vadd.f32 $4.000000000e+01, v6  }
0x78: {  	v7 =	vadd.f32 $3.000000000e+00, v7  }
0x79: {  	v8 =	vmul.f32 v8, v0;
	v6 =	vmul.f32 v6, v0  }
0x7a: {  	v7 =	vmul.f32 v7, v1  }
0x7b: {  	v9 =	vtrunc.f32 v8;
	v10 =	vtrunc.f32 v6  }
0x7c: {  	v10 =	vcvt.f32.s32 v10;
	v11 =	vtrunc.f32 v7  }
0x7d: {  	v12 =	vcvt.f32.s32 v9;
	vm0 =	vge.f32 v7, $0.0e+00;
	v9 =	vcvt.f32.s32 v11  }
0x7e: {  	vm1 =	vge.f32 v8, $0.0e+00;
	vm2 =	vge.f32 v6, $0.0e+00;
	vm3 =	vlt.s32 v10, $0x640  }
0x7f: {  	v6 =	vmov s13;
	vm4 =	vlt.s32 v12, $0x580;
	vm2 =	vmand vm2, vm3  }
.Ltmp3:
0x80: {  	v6 =	vshll.u32 v6, $0x7;
	vm1 =	vmand vm1, vm4;
	vm3 =	vlt.s32 v9, $0x28;
	(pc) =	sbr.rel @p0 .LBB2_7-.Ltmp3, $4  }
0x81: {  	v11 =	vor.u32 v2, v6;
	vm0 =	vmand vm0, vm3;
	vm1 =	vmand vm1, vm2  }
0x82: {  	v6 =	vor.u32 $0x1, v11;
	vm0 =	vmand vm1, vm0  }
0x83: {  	v7 =	vor.u32 $0x2, v11;
	v8 =	vnsel vm0, $0xFFFFFFFF, v9;
	v9 =	vnsel vm0, $0xFFFFFFFF, v10  }
0x84: {  	[tilespmem:v5+s10+$0x0] =	vst.idx.msk $0xffff, v8;
	v8 =	vnsel vm0, $0xFFFFFFFF, v12;
	v5 =	vmov v11  }
0x85: {  	_ =	sdelay $0x3  }
0x86: {  	[tilespmem:v3+s10+$0x0] =	vst.idx.msk $0xffff, v9  }
0x87: {  	[tilespmem:v4+s10+$0x0] =	vst.idx.msk $0xffff, v8  }
0x88: {  	v3 =	vld.idx.msk [tilespmem:v6+s1+$0x0], $0xffff  }
0x89: {  	v4 =	vld.idx.msk [tilespmem:v7+s1+$0x0], $0xffff  }
0x8a: {  	v8 =	vld.idx.msk [tilespmem:v5+s1+$0x0], $0xffff;
	_ =	sdelay $0x3  }
0x8b: {  	v3 =	vadd.f32 $4.000000000e+01, v3  }
0x8c: {  	v4 =	vadd.f32 $3.000000000e+00, v4;
	v8 =	vmul.f32 v8, v0  }
0x8d: {  	v3 =	vmul.f32 v3, v0  }
0x8e: {  	v4 =	vmul.f32 v4, v1;
	v10 =	vtrunc.f32 v8  }
0x8f: {  	v10 =	vcvt.f32.s32 v10;
	v62 =	vtrunc.f32 v3  }
0x90: {  	v11 =	vtrunc.f32 v4;
	v9 =	vcvt.f32.s32 v62  }
0x91: {  	vm1 =	vge.f32 v8, $0.0e+00;
	vm0 =	vge.f32 v4, $0.0e+00;
	v11 =	vcvt.f32.s32 v11  }
0x92: {  	vm2 =	vge.f32 v3, $0.0e+00;
	vm4 =	vlt.s32 v10, $0x580;
	vm3 =	vlt.s32 v9, $0x640  }
0x93: {  	vm1 =	vmand vm1, vm4;
	vm15 =	vlt.s32 v11, $0x28;
	vm2 =	vmand vm2, vm3  }
0x94: {  	vm0 =	vmand vm0, vm15;
	vm1 =	vmand vm1, vm2  }
0x95: {  	vm0 =	vmand vm1, vm0  }
0x96: {  	v3 =	vnsel vm0, $0xFFFFFFFF, v11  }
0x97: {  	s11 =	sadd.s32 $0x1, s11;
	v63 =	vnsel vm0, $0xFFFFFFFF, v9;
	[tilespmem:v5+s10+$0x0] =	vst.idx.msk $0xffff, v3  }
0x98: {  	p0 =	sne.s32 s11, s8;
	v3 =	vnsel vm0, $0xFFFFFFFF, v10;
	[tilespmem:v6+s10+$0x0] =	vst.idx.msk $0xffff, v63  }
.Ltmp4:
0x99: {  	[tilespmem:v7+s10+$0x0] =	vst.idx.msk $0xffff, v3;
	(pc) =	sbr.rel @p0 .LBB2_2-.Ltmp4, $4  }
0x9a: {  	[hbm4b:s7+s1] =	stream.linear.scatter [tilespmem:s10], [sflag:$0x1], $0xC800, $0x38;
	[tilespmem:$0x1E000] =	vst v63  }
0x9b: {  	_ =	swait.ge [sflag:s9], $0xC800  }
0x9c: {  	[sflag:s9] =	ssyncset.done $0x0  }
0x9d: {  	[sflag:s9] =	ssyncadd.s32 $0xFFFF3800  }
.LBB2_9:
0x9e: {  	_ =	sfence.sel $0x180000  }
0x9f: {  	[bflag:$0x0] =	sbarrier.arrive $0xFFFF  }
0xa0: {  	p0 =	sne.s32 s2, $0x0;
	_ =	strace $0x90000047  }
0xa1: {  	s0 =	sadd.s32 @!p0 $0x100000, s0;
	[bflag:$0x2] =	sbarrier.arrive $0xFFFF  }
0xa2: {  	[sflag:s0] =	ssyncadd.tile.s32 @!p0 $0x1;
	_ =	shalt  }
.Lfunc_end2:
_tile_overlayer_lowered:
.L_overlay_start_2:
0xa3: {  	(tag) =	ssettag $0x2  }
0xa4: {  	s0 =	rddreg [dreg:$0x0];
	s2 =	stileid.u32  }
0xa5: {  	s1 =	rddreg [dreg:$0x1];
	p0 =	sne.s32 s2, $0x0  }
0xa6: {  	s3 =	rddreg [dreg:$0x2];
	[bflag:$0x3] =	sbarrier.arrive $0xFFFF;
	s2 =	simm.s32 @!p0 $0x1C01  }
0xa7: {  	[timem:s3], [sflag:s2] =	dma.local @!p0 [hbm:s0], s1  }
0xa8: {  	s0 =	simm.s32 @!p0 $0x1  }
0xa9: {  	_ =	swait.ge @!p0 [sflag:s0], s1  }
0xaa: {  	s1 =	ssub.s32 @!p0 $0x0, s1;
	[sflag:s0] =	ssyncset.done @!p0 $0x0  }
0xab: {  	[sflag:s0] =	ssyncadd.s32 @!p0 s1  }
0xac: {  	[bflag:$0x3] =	sbarrier.arrive $0xFFFF  }
0xad: {  	_ =	shalt  }

</sc_bundles>
